<compile_context>
chip_gen: v7x
topology: tpu7x:2x2x1
jax: 0.10.2.dev20260603
libtpu: 0.0.44.dev20260713+nightly
codegen_flags: <defaults>
</compile_context>

<pallas_src>
import functools

import jax
import jax.numpy as jnp
from jax import lax
from jax.experimental import pallas as pl
from jax.experimental.pallas import tpu as pltpu
from jax.experimental.pallas import tpu_sc as plsc


def _sc_stage(xs, pidx, process_neurons):
    S, R = xs.shape
    NP = process_neurons.shape[0]
    K = pidx.shape[1]
    info = plsc.get_sparse_core_info()
    NW = info.num_cores * info.num_subcores
    TOK = S // NW
    G = TOK // info.num_lanes
    mesh = plsc.VectorSubcoreMesh(core_axis_name="c", subcore_axis_name="s")

    @functools.partial(
        pl.kernel,
        out_type=jax.ShapeDtypeStruct((S * R,), jnp.float32),
        mesh=mesh,
        compiler_params=pltpu.CompilerParams(needs_layout_passes=False),
        scratch_types=[
            pltpu.VMEM((TOK * R,), jnp.float32),
            pltpu.VMEM((TOK * K,), jnp.int32),
            pltpu.VMEM((NP * R,), jnp.float32),
            pltpu.VMEM((NP,), jnp.float32),
        ],
    )
    def hh(x_hbm, pidx_hbm, pn_hbm, out_hbm, x_v, pidx_v, pn_v, norms_v):
        wid = lax.axis_index("s") * info.num_cores + lax.axis_index("c")
        pltpu.sync_copy(x_hbm.at[pl.ds(wid * TOK * R, TOK * R)], x_v)
        pltpu.sync_copy(pidx_hbm.at[pl.ds(wid * TOK * K, TOK * K)], pidx_v)
        pltpu.sync_copy(pn_hbm, pn_v)
        pltpu.sync_copy(x_v, out_hbm.at[pl.ds(wid * TOK * R, TOK * R)])
        return
        lanes = lax.iota(jnp.int32, 16)
        zf = jnp.zeros((16,), jnp.float32)
        U = 16
        for pg in range(NP // 16):
            rows = (lanes + pg * 16) * R

            def nbody(ro, acc):
                a0, a1 = acc
                for ri in range(U):
                    v = plsc.load_gather(pn_v, [rows + (ro * U + ri)])
                    if ri % 2 == 0:
                        a0 = a0 + v * v
                    else:
                        a1 = a1 + v * v
                return (a0, a1)

            na, nb = lax.fori_loop(0, R // U, nbody, (zf, zf))
            norms_v[pl.ds(pg * 16, 16)] = na + nb
        for g in range(G):
            tok = lanes + g * 16
            i1 = plsc.load_gather(pidx_v, [tok * K])
            i2 = plsc.load_gather(pidx_v, [tok * K + 1])
            n1 = plsc.load_gather(norms_v, [i1]) + 1e-8
            n2 = plsc.load_gather(norms_v, [i2]) + 1e-8
            xb = tok * R
            v1b = i1 * R
            v2b = i2 * R

            def dotbody(ro, carry):
                d1a, d1b, d2a, d2b, d12a, d12b = carry
                for ri in range(U):
                    r = ro * U + ri
                    xv = plsc.load_gather(x_v, [xb + r])
                    v1 = plsc.load_gather(pn_v, [v1b + r])
                    v2 = plsc.load_gather(pn_v, [v2b + r])
                    if ri % 2 == 0:
                        d1a = d1a + xv * v1
                        d2a = d2a + xv * v2
                        d12a = d12a + v1 * v2
                    else:
                        d1b = d1b + xv * v1
                        d2b = d2b + xv * v2
                        d12b = d12b + v1 * v2
                return (d1a, d1b, d2a, d2b, d12a, d12b)

            d1a, d1b, d2a, d2b, d12a, d12b = lax.fori_loop(
                0, R // U, dotbody, (zf, zf, zf, zf, zf, zf)
            )
            d1, d2, d12 = d1a + d1b, d2a + d2b, d12a + d12b
            a = 2.0 * d1 / n1
            b = 2.0 * (d2 - a * d12) / n2

            def updbody(ro, carry):
                for ri in range(U):
                    r = ro * U + ri
                    xv = plsc.load_gather(x_v, [xb + r])
                    v1 = plsc.load_gather(pn_v, [v1b + r])
                    v2 = plsc.load_gather(pn_v, [v2b + r])
                    plsc.store_scatter(x_v, [xb + r], xv - a * v1 - b * v2)
                return carry

            lax.fori_loop(0, R // U, updbody, 0)
        pltpu.sync_copy(x_v, out_hbm.at[pl.ds(wid * TOK * R, TOK * R)])

    return hh(xs.reshape(-1), pidx.reshape(-1), process_neurons.reshape(-1)).reshape(S, R)


def _tc_body(x_ref, oidx_ref, w_ref, out_ref):
    T, R = x_ref.shape
    NO = w_ref.shape[0] // R
    xt = x_ref[...]
    ohe = (
        oidx_ref[...] == lax.broadcasted_iota(jnp.int32, (T, NO), 1)
    ).astype(jnp.float32)
    xb = jnp.concatenate([xt * ohe[:, e : e + 1] for e in range(NO)], axis=1)
    out_ref[...] = jnp.dot(xb, w_ref[...], preferred_element_type=jnp.float32)


def kernel(x, output_idx, process_indices, process_neurons, output_neurons):
    B, S, R = x.shape
    NO, _, D = output_neurons.shape
    K = process_indices.shape[-1]
    xs = x.reshape(S, R)
    oidx = output_idx.reshape(S, 1)
    pidx = process_indices.reshape(S, K)
    wflat = output_neurons.reshape(NO * R, D)
    x2 = _sc_stage(xs, pidx, process_neurons)
    T = 256
    grid = (S // T,)
    out = pl.pallas_call(
        _tc_body,
        grid=grid,
        in_specs=[
            pl.BlockSpec((T, R), lambda i: (i, 0)),
            pl.BlockSpec((T, 1), lambda i: (i, 0)),
            pl.BlockSpec((NO * R, D), lambda i: (0, 0)),
        ],
        out_specs=pl.BlockSpec((T, D), lambda i: (i, 0)),
        out_shape=jax.ShapeDtypeStruct((S, D), jnp.float32),
    )(x2, oidx, wflat)
    return out.reshape(B, S, D)

# --- scband reference (transcript-rebuilt; emitter-appended) ---
"""Pipeline reference for scband-neuron-circuit-up-31593779429535 (READ-ONLY COPY).

The authoritative reference and input builder live on the scoring server;
editing this copy changes nothing except your own understanding.
"""

import jax, jax.numpy as jnp
import numpy as np

B, S, RANK, D_MODEL = 1, 2048, 64, 1024
N_OUTPUT, N_PROCESS, K = 8, 32, 2


def apply_householder(x, v):
    v_norm_sq = jnp.sum(v * v, axis=-1, keepdims=True) + 1e-08
    v_normalized = v / jnp.sqrt(v_norm_sq)
    vTx = jnp.sum(x * v_normalized, axis=-1, keepdims=True)
    return x - 2 * v_normalized * vTx


def setup_inputs(seed: int = 0) -> dict:
    key = jax.random.key(seed)
    k1, k2, k3, k4, k5 = jax.random.split(key, 5)
    x = jax.random.normal(k1, (B, S, RANK), dtype=jnp.float32)
    output_idx = jax.random.randint(k2, (B, S), 0, N_OUTPUT).astype(jnp.int32)
    process_indices = jax.random.randint(k3, (B, S, K), 0, N_PROCESS).astype(jnp.int32)
    # process_neurons: random unit vectors [n_process, rank]
    pv = jax.random.normal(k4, (N_PROCESS, RANK), dtype=jnp.float32)
    process_neurons = pv / (jnp.linalg.norm(pv, axis=-1, keepdims=True) + 1e-08)
    # output_neurons: orthogonal init [n_output, rank, d_model] (rank < d_model -> q.T)
    w = jax.random.normal(k5, (N_OUTPUT, D_MODEL, RANK), dtype=jnp.float32)
    q, _ = jnp.linalg.qr(w)  # [N_OUTPUT, D_MODEL, RANK]
    output_neurons = jnp.transpose(q, (0, 2, 1))  # [N_OUTPUT, RANK, D_MODEL]
    return {
        "x": x,
        "output_idx": output_idx,
        "process_indices": process_indices,
        "process_neurons": process_neurons,
        "output_neurons": output_neurons,
    }


def reference(x, output_idx, process_indices, process_neurons, output_neurons):
    # Householder chain in rank space (gather of process neuron vectors)
    k = process_indices.shape[-1]
    selected_v = jnp.take(process_neurons, process_indices, axis=0)  # [B, S, k, rank]
    for i in range(k):
        v = selected_v[:, :, i, :]
        x = apply_householder(x, v)
    # Hard output-neuron selection (per-token gather of [rank, d_model] matrices)
    selected = jnp.take(output_neurons, output_idx, axis=0)  # [B, S, rank, d_model]
    out = jnp.einsum('bsr,bsrd->bsd', x, selected)
    return out

if __name__ == "__main__":
    import jax
    _d = setup_inputs()
    print(jax.jit(kernel)(*tuple(_d.values())))

</pallas_src>

<mosaic_0001>
#map = affine_map<(d0, d1) -> (0)>
module attributes {stable_mosaic.version = 14 : i64} {
  func.func @hh(%arg0: i32, %arg1: i32, %arg2: memref<131072xf32, #tpu.memory_space<hbm>>, %arg3: memref<4096xi32, #tpu.memory_space<hbm>>, %arg4: memref<2048xf32, #tpu.memory_space<hbm>>, %arg5: memref<131072xf32, #tpu.memory_space<hbm>>, %arg6: memref<4096xf32, #tpu.memory_space<vmem>>, %arg7: memref<128xi32, #tpu.memory_space<vmem>>, %arg8: memref<2048xf32, #tpu.memory_space<vmem>>, %arg9: memref<32xf32, #tpu.memory_space<vmem>>) attributes {dimension_semantics = [#tpu.dimension_semantics<core_parallel>, #tpu.dimension_semantics<subcore_parallel>], iteration_bounds = array<i64: 2, 16>, scalar_prefetch = 0 : i64, scratch_operands = 4 : i64, tpu.core_type = #tpu.core_type<sc_vector_subcore>, window_params = [{transform_indices = #map}, {transform_indices = #map}, {transform_indices = #map}, {transform_indices = #map}]} {
    %mul3A = arith.constant 2 : i32
    %mul3A_0 = arith.muli %arg1, %mul3A : i32
    %add3A = arith.addi %mul3A_0, %arg0 : i32
    %mul3A_1 = arith.constant 64 : i32
    %mul3A_2 = arith.muli %add3A, %mul3A_1 : i32
    %mul3A_3 = arith.constant 64 : i32
    %mul3A_4 = arith.muli %mul3A_2, %mul3A_3 : i32
    "tpu.region"() ({
      %run_scoped3A = tpu.sem_alloc : memref<!tpu.dma_semaphore, #tpu.memory_space<semaphore_mem>>
      %dma_start3A = tpu.memref_slice %arg2[%mul3A_4] : memref<131072xf32, #tpu.memory_space<hbm>> -> memref<4096xf32, #tpu.memory_space<hbm>>
      %dma_start3A_13 = tpu.memref_slice %arg2[%mul3A_4] : memref<131072xf32, #tpu.memory_space<hbm>> -> memref<4096xf32, #tpu.memory_space<hbm>>
      tpu.enqueue_dma source(%dma_start3A_13 : memref<4096xf32, #tpu.memory_space<hbm>>) target(%arg6 : memref<4096xf32, #tpu.memory_space<vmem>>) target_semaphore(%run_scoped3A : memref<!tpu.dma_semaphore, #tpu.memory_space<semaphore_mem>>)
      %dma_wait3A = tpu.memref_slice %arg2[%mul3A_4] : memref<131072xf32, #tpu.memory_space<hbm>> -> memref<4096xf32, #tpu.memory_space<hbm>>
      %dma_wait3A_14 = tpu.memref_slice %arg2[%mul3A_4] : memref<131072xf32, #tpu.memory_space<hbm>> -> memref<4096xf32, #tpu.memory_space<hbm>>
      tpu.wait_dma2 semaphore(%run_scoped3A : memref<!tpu.dma_semaphore, #tpu.memory_space<semaphore_mem>>) src(%dma_wait3A_14 : memref<4096xf32, #tpu.memory_space<hbm>>) dst(%arg6 : memref<4096xf32, #tpu.memory_space<vmem>>)
      tpu.yield
    }) : () -> ()
    %mul3A_5 = arith.constant 64 : i32
    %mul3A_6 = arith.muli %add3A, %mul3A_5 : i32
    %mul3A_7 = arith.constant 2 : i32
    %mul3A_8 = arith.muli %mul3A_6, %mul3A_7 : i32
    "tpu.region"() ({
      %run_scoped3A = tpu.sem_alloc : memref<!tpu.dma_semaphore, #tpu.memory_space<semaphore_mem>>
      %dma_start3A = tpu.memref_slice %arg3[%mul3A_8] : memref<4096xi32, #tpu.memory_space<hbm>> -> memref<128xi32, #tpu.memory_space<hbm>>
      %dma_start3A_13 = tpu.memref_slice %arg3[%mul3A_8] : memref<4096xi32, #tpu.memory_space<hbm>> -> memref<128xi32, #tpu.memory_space<hbm>>
      tpu.enqueue_dma source(%dma_start3A_13 : memref<128xi32, #tpu.memory_space<hbm>>) target(%arg7 : memref<128xi32, #tpu.memory_space<vmem>>) target_semaphore(%run_scoped3A : memref<!tpu.dma_semaphore, #tpu.memory_space<semaphore_mem>>)
      %dma_wait3A = tpu.memref_slice %arg3[%mul3A_8] : memref<4096xi32, #tpu.memory_space<hbm>> -> memref<128xi32, #tpu.memory_space<hbm>>
      %dma_wait3A_14 = tpu.memref_slice %arg3[%mul3A_8] : memref<4096xi32, #tpu.memory_space<hbm>> -> memref<128xi32, #tpu.memory_space<hbm>>
      tpu.wait_dma2 semaphore(%run_scoped3A : memref<!tpu.dma_semaphore, #tpu.memory_space<semaphore_mem>>) src(%dma_wait3A_14 : memref<128xi32, #tpu.memory_space<hbm>>) dst(%arg7 : memref<128xi32, #tpu.memory_space<vmem>>)
      tpu.yield
    }) : () -> ()
    "tpu.region"() ({
      %run_scoped3A = tpu.sem_alloc : memref<!tpu.dma_semaphore, #tpu.memory_space<semaphore_mem>>
      tpu.enqueue_dma source(%arg4 : memref<2048xf32, #tpu.memory_space<hbm>>) target(%arg8 : memref<2048xf32, #tpu.memory_space<vmem>>) target_semaphore(%run_scoped3A : memref<!tpu.dma_semaphore, #tpu.memory_space<semaphore_mem>>)
      tpu.wait_dma2 semaphore(%run_scoped3A : memref<!tpu.dma_semaphore, #tpu.memory_space<semaphore_mem>>) src(%arg4 : memref<2048xf32, #tpu.memory_space<hbm>>) dst(%arg8 : memref<2048xf32, #tpu.memory_space<vmem>>)
      tpu.yield
    }) : () -> ()
    %mul3A_9 = arith.constant 64 : i32
    %mul3A_10 = arith.muli %add3A, %mul3A_9 : i32
    %mul3A_11 = arith.constant 64 : i32
    %mul3A_12 = arith.muli %mul3A_10, %mul3A_11 : i32
    "tpu.region"() ({
      %run_scoped3A = tpu.sem_alloc : memref<!tpu.dma_semaphore, #tpu.memory_space<semaphore_mem>>
      %dma_start3A = tpu.memref_slice %arg5[%mul3A_12] : memref<131072xf32, #tpu.memory_space<hbm>> -> memref<4096xf32, #tpu.memory_space<hbm>>
      %dma_start3A_13 = tpu.memref_slice %arg5[%mul3A_12] : memref<131072xf32, #tpu.memory_space<hbm>> -> memref<4096xf32, #tpu.memory_space<hbm>>
      tpu.enqueue_dma source(%arg6 : memref<4096xf32, #tpu.memory_space<vmem>>) target(%dma_start3A_13 : memref<4096xf32, #tpu.memory_space<hbm>>) target_semaphore(%run_scoped3A : memref<!tpu.dma_semaphore, #tpu.memory_space<semaphore_mem>>)
      %dma_wait3A = tpu.memref_slice %arg5[%mul3A_12] : memref<131072xf32, #tpu.memory_space<hbm>> -> memref<4096xf32, #tpu.memory_space<hbm>>
      %dma_wait3A_14 = tpu.memref_slice %arg5[%mul3A_12] : memref<131072xf32, #tpu.memory_space<hbm>> -> memref<4096xf32, #tpu.memory_space<hbm>>
      tpu.wait_dma2 semaphore(%run_scoped3A : memref<!tpu.dma_semaphore, #tpu.memory_space<semaphore_mem>>) src(%arg6 : memref<4096xf32, #tpu.memory_space<vmem>>) dst(%dma_wait3A_14 : memref<4096xf32, #tpu.memory_space<hbm>>)
      tpu.yield
    }) : () -> ()
    return
  }
}

module attributes {stable_mosaic.version = 14 : i64} {
  func.func @_tc_body(%arg0: i32, %arg1: memref<256x64xf32, #tpu.memory_space<vmem>>, %arg2: memref<256x1xi32, #tpu.memory_space<vmem>>, %arg3: memref<512x1024xf32, #tpu.memory_space<vmem>>, %arg4: memref<256x1024xf32, #tpu.memory_space<vmem>>) attributes {dimension_semantics = [#tpu.dimension_semantics<arbitrary>], iteration_bounds = array<i64: 8>, scalar_prefetch = 0 : i64, scratch_operands = 0 : i64, tpu.core_type = #tpu.core_type<tc>, window_params = [{transform_indices = @transform_0, window_bounds = array<i64: 256, 64>}, {transform_indices = @transform_1, window_bounds = array<i64: 256, 1>}, {pipeline_mode = #tpu.pipeline_mode<synchronous>, transform_indices = @transform_2, window_bounds = array<i64: 512, 1024>}, {transform_indices = @transform_3, window_bounds = array<i64: 256, 1024>}]} {
    %get3A = arith.constant 0 : index
    %get3A_0 = arith.constant 0 : index
    %get3A_1 = vector.load %arg1[%get3A, %get3A_0] : memref<256x64xf32, #tpu.memory_space<vmem>>, vector<256x64xf32>
    %get3A_2 = arith.constant 0 : index
    %get3A_3 = arith.constant 0 : index
    %get3A_4 = vector.load %arg2[%get3A_2, %get3A_3] : memref<256x1xi32, #tpu.memory_space<vmem>>, vector<256x1xi32>
    %iota3A = tpu.iota {dimensions = array<i32: 1>} : vector<256x8xi32>
    %eq3A = vector.broadcast %get3A_4 : vector<256x1xi32> to vector<256x8xi32>
    %eq3A_5 = arith.cmpi eq, %eq3A, %iota3A : vector<256x8xi32>
    %convert_element_type3A = arith.extui %eq3A_5 : vector<256x8xi1> to vector<256x8xi32>
    %convert_element_type3A_6 = arith.sitofp %convert_element_type3A : vector<256x8xi32> to vector<256x8xf32>
    %slice3A = vector.extract_strided_slice %convert_element_type3A_6 {offsets = [0, 0], sizes = [256, 1], strides = [1, 1]} : vector<256x8xf32> to vector<256x1xf32>
    %mul3A = vector.broadcast %slice3A : vector<256x1xf32> to vector<256x64xf32>
    %mul3A_7 = arith.mulf %get3A_1, %mul3A : vector<256x64xf32>
    %slice3A_8 = vector.extract_strided_slice %convert_element_type3A_6 {offsets = [0, 1], sizes = [256, 1], strides = [1, 1]} : vector<256x8xf32> to vector<256x1xf32>
    %mul3A_9 = vector.broadcast %slice3A_8 : vector<256x1xf32> to vector<256x64xf32>
    %mul3A_10 = arith.mulf %get3A_1, %mul3A_9 : vector<256x64xf32>
    %slice3A_11 = vector.extract_strided_slice %convert_element_type3A_6 {offsets = [0, 2], sizes = [256, 1], strides = [1, 1]} : vector<256x8xf32> to vector<256x1xf32>
    %mul3A_12 = vector.broadcast %slice3A_11 : vector<256x1xf32> to vector<256x64xf32>
    %mul3A_13 = arith.mulf %get3A_1, %mul3A_12 : vector<256x64xf32>
    %slice3A_14 = vector.extract_strided_slice %convert_element_type3A_6 {offsets = [0, 3], sizes = [256, 1], strides = [1, 1]} : vector<256x8xf32> to vector<256x1xf32>
    %mul3A_15 = vector.broadcast %slice3A_14 : vector<256x1xf32> to vector<256x64xf32>
    %mul3A_16 = arith.mulf %get3A_1, %mul3A_15 : vector<256x64xf32>
    %slice3A_17 = vector.extract_strided_slice %convert_element_type3A_6 {offsets = [0, 4], sizes = [256, 1], strides = [1, 1]} : vector<256x8xf32> to vector<256x1xf32>
    %mul3A_18 = vector.broadcast %slice3A_17 : vector<256x1xf32> to vector<256x64xf32>
    %mul3A_19 = arith.mulf %get3A_1, %mul3A_18 : vector<256x64xf32>
    %slice3A_20 = vector.extract_strided_slice %convert_element_type3A_6 {offsets = [0, 5], sizes = [256, 1], strides = [1, 1]} : vector<256x8xf32> to vector<256x1xf32>
    %mul3A_21 = vector.broadcast %slice3A_20 : vector<256x1xf32> to vector<256x64xf32>
    %mul3A_22 = arith.mulf %get3A_1, %mul3A_21 : vector<256x64xf32>
    %slice3A_23 = vector.extract_strided_slice %convert_element_type3A_6 {offsets = [0, 6], sizes = [256, 1], strides = [1, 1]} : vector<256x8xf32> to vector<256x1xf32>
    %mul3A_24 = vector.broadcast %slice3A_23 : vector<256x1xf32> to vector<256x64xf32>
    %mul3A_25 = arith.mulf %get3A_1, %mul3A_24 : vector<256x64xf32>
    %slice3A_26 = vector.extract_strided_slice %convert_element_type3A_6 {offsets = [0, 7], sizes = [256, 1], strides = [1, 1]} : vector<256x8xf32> to vector<256x1xf32>
    %mul3A_27 = vector.broadcast %slice3A_26 : vector<256x1xf32> to vector<256x64xf32>
    %mul3A_28 = arith.mulf %get3A_1, %mul3A_27 : vector<256x64xf32>
    %concatenate3A = tpu.concatenate %mul3A_7, %mul3A_10, %mul3A_13, %mul3A_16, %mul3A_19, %mul3A_22, %mul3A_25, %mul3A_28 in 1 : vector<256x64xf32>, vector<256x64xf32>, vector<256x64xf32>, vector<256x64xf32>, vector<256x64xf32>, vector<256x64xf32>, vector<256x64xf32>, vector<256x64xf32> -> vector<256x512xf32>
    %get3A_29 = arith.constant 0 : index
    %get3A_30 = arith.constant 0 : index
    %get3A_31 = vector.load %arg3[%get3A_29, %get3A_30] : memref<512x1024xf32, #tpu.memory_space<vmem>>, vector<512x1024xf32>
    %dot_general3A = arith.constant dense<0.000000e+00> : vector<256x1024xf32>
    %dot_general3A_32 = tpu.matmul %concatenate3A, %get3A_31, %dot_general3A {dimension_numbers = #tpu.dot_dimension_numbers<[1], [0], [0], [1], [0, 0, 1, 1], [], []>, transpose_lhs_hint = false} : vector<256x512xf32>, vector<512x1024xf32>, vector<256x1024xf32> -> vector<256x1024xf32>
    %swap3A = arith.constant 0 : index
    %swap3A_33 = arith.constant 0 : index
    %swap3A_34 = vector.load %arg4[%swap3A, %swap3A_33] : memref<256x1024xf32, #tpu.memory_space<vmem>>, vector<256x1024xf32>
    tpu.vector_store %arg4[%swap3A, %swap3A_33], %dot_general3A_32 {strides = array<i32>} : memref<256x1024xf32, #tpu.memory_space<vmem>>, vector<256x1024xf32>,
    return
  }
  func.func @transform_0(%arg0: i32) -> (i32, i32) {
    %c0_i32 = arith.constant 0 : i32
    %c0_i32_0 = arith.constant 0 : i32
    return %arg0, %c0_i32 : i32, i32
  }
  func.func @transform_1(%arg0: i32) -> (i32, i32) {
    %c0_i32 = arith.constant 0 : i32
    %c0_i32_0 = arith.constant 0 : i32
    return %arg0, %c0_i32 : i32, i32
  }
  func.func @transform_2(%arg0: i32) -> (i32, i32) {
    %c0_i32 = arith.constant 0 : i32
    %c0_i32_0 = arith.constant 0 : i32
    %c0_i32_1 = arith.constant 0 : i32
    return %c0_i32, %c0_i32_0 : i32, i32
  }
  func.func @transform_3(%arg0: i32) -> (i32, i32) {
    %c0_i32 = arith.constant 0 : i32
    %c0_i32_0 = arith.constant 0 : i32
    return %arg0, %c0_i32 : i32, i32
  }
}

</mosaic_0001>

<sc_bundles>
// kernel: kernel.4.cloned.1.call-start
scs
__scs_entry_jumppad:
0x0: {  	(pc) =	sbr.rel $0x88, $3  }
0x1: {  	(tag) =	ssettag $0x0;
	lr =	simm.s32 $0x1  }
0x2: {  	[smem:$0x3F9C] =	sst lr;
	_ =	strace $0xD0000000  }
0x3: {  	_ = 	snop  }
0x4: {  	_ = 	snop  }
0x5: {  	_ = 	snop  }
0x6: {  	_ = 	snop  }
0x7: {  	_ = 	snop  }
__scs_overlays_trampoline_lowered:
0x8: {  	[smem:$0x3FAB] =	sst s0  }
0x9: {  	[smem:$0x3FAC] =	sst s1  }
0xa: {  	[smem:$0x3FAD] =	sst s2  }
0xb: {  	[smem:$0x3FAE] =	sst s3  }
0xc: {  	[smem:$0x3FAF] =	sst s4  }
0xd: {  	[smem:$0x3FB0] =	sst s5  }
0xe: {  	[smem:$0x3FB1] =	sst s6  }
0xf: {  	[smem:$0x3FB2] =	sst s7  }
0x10: {  	[smem:$0x3FB3] =	sst s8  }
0x11: {  	[smem:$0x3FB4] =	sst s9;
	s0 =	simm.s32 @!p0 $0x0  }
0x12: {  	s1 =	sld [smem:$0x3F9A];
	s0 =	simm.s32 @p0 $0x1  }
0x13: {  	[smem:$0x3FB5] =	sst s0;
	s0 =	simm.s32 @!p1 $0x0  }
0x14: {  	s2 =	sld [smem:$0x3F99];
	s0 =	simm.s32 @p1 $0x1  }
0x15: {  	[smem:$0x3FB6] =	sst s0;
	s0 =	simm.s32 @!p2 $0x0  }
0x16: {  	s3 =	sld [smem:$0x3FDB];
	s0 =	simm.s32 @p2 $0x1  }
0x17: {  	s4 =	simm.s32 $0x1BF5;
	[smem:$0x3FB8] =	sst s0  }
0x18: {  	s0 =	sld [smem:$0x3F9B];
	_ =	swait.ge [sflag:s4], $0x0  }
0x19: {  	s7 =	sld [smem:$0x3F9C]  }
0x1a: {  	s8 =	sadd.s32 $0xFFFFE003, lr  }
0x1b: {  	s9 =	sadd.s32 $0xFFFFFEF7, lr;
	s5 =	simm.s32 $0xFFFFFFFF;
	p2 =	slt.u32 s8, $0xFFFFF086  }
0x1c: {  	p1 =	slt.u32 s9, $0xF7A;
	s5 =	simm.s32 @!p2 $0x0  }
0x1d: {  	s5 =	simm.s32 @p1 $0x1;
	p0 =	seq.s32 s7, s2  }
0x1e: {  	s7 =	smul.u32 @!p0 $0xF7A, s2;
	p2 =	seq.s32 @!p0 s5, $0x0  }
0x1f: {  	s9 =	smul.u32 $0xF7A, s1;
	s8 =	simm.s32 @!p0 $0x1BF5;
	p2 =	por !p2, p0  }
0x20: {  	[sflag:s8] =	ssyncset.s32 @!p0 $0xFFFFF086;
	s6 =	sadd.s32 @!p0 s3, s7;
	s7 =	simm.s32 @!p0 $0x108  }
0x21: {  	s3 =	sadd.s32 s3, s9;
	s6 =	sadd.s32 @!p0 $0x88, s6;
	s7 =	simm.s32 @p2 $0x1082  }
0x22: {  	[simem:s7], [sflag:s8] =	dma.local @!p0 [hbm:s6], $0xF7A  }
0x23: {  	s9 =	sor.u32 $0xD0000000, s2;
	s6 =	simm.s32 $0x108;
	_ =	swait.ge @!p0 [sflag:s8], $0x0  }
0x24: {  	s3 =	sadd.s32 $0x88, s3;
	s6 =	simm.s32 @!p1 $0x1082;
	[sflag:s4] =	ssyncset.s32 $0xFFFFF086  }
0x25: {  	[simem:s6], [sflag:s4] =	dma.local [hbm:s3], $0xF7A  }
0x26: {  	[smem:$0x3F9C] =	sst s1;
	(tag) =	ssettag s2;
	_ =	strace s9  }
0x27: {  	s1 =	sld [smem:$0x3FAC]  }
0x28: {  	s2 =	sld [smem:$0x3FAD]  }
0x29: {  	s4 =	sld [smem:$0x3FAF]  }
0x2a: {  	p0 =	seq.s32 s5, $0x0;
	s5 =	sld [smem:$0x3FB0]  }
0x2b: {  	s6 =	sld [smem:$0x3FB1]  }
0x2c: {  	s7 =	sld [smem:$0x3FB2]  }
0x2d: {  	s3 =	simm.s32 $0x108;
	s8 =	sld [smem:$0x3FB3]  }
0x2e: {  	s3 =	simm.s32 @!p0 $0x1082;
	s9 =	sld [smem:$0x3FB4]  }
0x2f: {  	lr =	sadd.s32 s0, s3;
	s0 =	sld [smem:$0x3FAB]  }
0x30: {  	s3 =	sld [smem:$0x3FAE]  }
0x31: {  	[smem:$0x3FB7] =	sst s10  }
0x32: {  	s10 =	sld [smem:$0x3FB5];
	_ =	sdelay $0x3  }
0x33: {  	p0 =	seq.s32 s10, $0x1;
	s10 =	sld [smem:$0x3FB7];
	_ =	sdelay $0x3  }
0x34: {  	[smem:$0x3FB7] =	sst s10  }
0x35: {  	s10 =	sld [smem:$0x3FB6];
	_ =	sdelay $0x3  }
0x36: {  	p1 =	seq.s32 s10, $0x1;
	s10 =	sld [smem:$0x3FB7];
	_ =	sdelay $0x3  }
0x37: {  	[smem:$0x3FB7] =	sst s10  }
0x38: {  	s10 =	sld [smem:$0x3FB8]  }
0x39: {  	_ = 	snop;
	(pc) =	sbr.ind lr, $3  }
0x3a: {  	_ = 	snop  }
0x3b: {  	_ = 	snop  }
0x3c: {  	p2 =	seq.s32 s10, $0x1;
	s10 =	sld [smem:$0x3FB7]  }
0x3d: {  	_ =	shalt  }
0x3e: {  	_ =	shalt  }
0x3f: {  	_ =	shalt  }
0x40: {  	_ =	shalt  }
0x41: {  	_ =	shalt  }
0x42: {  	_ =	shalt  }
0x43: {  	_ =	shalt  }
0x44: {  	_ =	shalt  }
0x45: {  	_ =	shalt  }
0x46: {  	_ =	shalt  }
0x47: {  	_ =	shalt  }
0x48: {  	_ =	shalt  }
0x49: {  	_ =	shalt  }
0x4a: {  	_ =	shalt  }
0x4b: {  	_ =	shalt  }
0x4c: {  	_ =	shalt  }
0x4d: {  	_ =	shalt  }
0x4e: {  	_ =	shalt  }
0x4f: {  	_ =	shalt  }
0x50: {  	_ =	shalt  }
0x51: {  	_ =	shalt  }
0x52: {  	_ =	shalt  }
0x53: {  	_ =	shalt  }
0x54: {  	_ =	shalt  }
0x55: {  	_ =	shalt  }
0x56: {  	_ =	shalt  }
0x57: {  	_ =	shalt  }
0x58: {  	_ =	shalt  }
0x59: {  	_ =	shalt  }
0x5a: {  	_ =	shalt  }
0x5b: {  	_ =	shalt  }
0x5c: {  	_ =	shalt  }
0x5d: {  	_ =	shalt  }
0x5e: {  	_ =	shalt  }
0x5f: {  	_ =	shalt  }
0x60: {  	_ =	shalt  }
0x61: {  	_ =	shalt  }
0x62: {  	_ =	shalt  }
0x63: {  	_ =	shalt  }
0x64: {  	_ =	shalt  }
0x65: {  	_ =	shalt  }
0x66: {  	_ =	shalt  }
0x67: {  	_ =	shalt  }
0x68: {  	_ =	shalt  }
0x69: {  	_ =	shalt  }
0x6a: {  	_ =	shalt  }
0x6b: {  	_ =	shalt  }
0x6c: {  	_ =	shalt  }
0x6d: {  	_ =	shalt  }
0x6e: {  	_ =	shalt  }
0x6f: {  	_ =	shalt  }
0x70: {  	_ =	shalt  }
0x71: {  	_ =	shalt  }
0x72: {  	_ =	shalt  }
0x73: {  	_ =	shalt  }
0x74: {  	_ =	shalt  }
0x75: {  	_ =	shalt  }
0x76: {  	_ =	shalt  }
0x77: {  	_ =	shalt  }
0x78: {  	_ =	shalt  }
0x79: {  	_ =	shalt  }
0x7a: {  	_ =	shalt  }
0x7b: {  	_ =	shalt  }
0x7c: {  	_ =	shalt  }
0x7d: {  	_ =	shalt  }
0x7e: {  	_ =	shalt  }
0x7f: {  	_ =	shalt  }
0x80: {  	_ =	shalt  }
0x81: {  	_ =	shalt  }
0x82: {  	_ =	shalt  }
0x83: {  	_ =	shalt  }
0x84: {  	_ =	shalt  }
0x85: {  	_ =	shalt  }
0x86: {  	_ =	shalt  }
0x87: {  	_ =	shalt  }
.Lfunc_end0:
.L_simem_size_0:
called_computation_lowered:
.L_overlay_start_0:
0x88: {  	s2 =	sld [smem:$0x3FD9]  }
0x89: {  	s3 =	sld [smem:$0x3FFE];
	_ =	sdelay $0x1  }
0x8a: {  	s1 =	srdreg.scid  }
0x8b: {  	s0 =	sand.u32 $0x1, s1  }
0x8c: {  	s17 =	sshll.u32 s0, $0xA;
	s2 =	sadd.s32 s3, s2  }
0x8d: {  	s2 =	sadd.s32 s2, s17  }
0x8e: {  	[smem:$0x3FC3] =	sst s2  }
0x8f: {  	_ = 	snop  }
0x90: {  	s2 =	sld [smem:$0x3FD0];
	(tm) =	ssettm $0x1  }
0x91: {  	s18 =	sld [smem:$0x3FFB];
	_ =	sdelay $0x3  }
0x92: {  	_ =	strace s18  }
0x93: {  	s3 =	sld [smem:$0x3FFC];
	_ =	sdelay $0x3  }
0x94: {  	_ =	strace s3  }
0x95: {  	s3 =	sld [smem:$0x3FFD];
	_ =	sdelay $0x3  }
0x96: {  	_ =	strace s3  }
0x97: {  	_ =	strace $0x8FFFFFFF  }
0x98: {  	s19 =	sld [smem:$0x3FDB];
	_ =	sdelay $0x1  }
0x99: {  	s4 =	simm.s32 $_scs_section_size  }
0x9a: {  	s5 =	simm.s32 $_size__tile_overlayer_lowered;
	s6 =	simm.s32 $_tile_overlayer_lowered  }
0x9b: {  	s22 =	simm.s32 $0x1BFF;
	s21 =	sshll.u32 s6, $0x1;
	s3 =	sadd.s32 s4, s19  }
0x9c: {  	s7 =	simm.s32 $0x0;
	s20 =	sshll.u32 s5, $0x1;
	s5 =	sadd.s32 s21, s3  }
0x9d: {  	[timem:s7], [sflag:s22] =	dma.local [hbm:s5], s20  }
0x9e: {  	_ =	swait.ge [sflag:s22], s20  }
0x9f: {  	s4 =	ssub.s32 $0x0, s20;
	[sflag:s22] =	ssyncset.done $0x0  }
0xa0: {  	[sflag:s22] =	ssyncadd.s32 s4;
	_ =	sdelay $0x1  }
0xa1: {  	s23 =	simm.s32 $0x1B8B  }
0xa2: {  	_ =	swait.ge [sflag:s23], $0x1  }
0xa3: {  	[sflag:s23] =	ssyncset.done $0x0  }
0xa4: {  	s25 =	simm.s32 $0x1B8E;
	s24 =	sld [smem:$0x3FFE];
	[sflag:s23] =	ssyncadd.s32 $0xFFFFFFFF  }
0xa5: {  	s26 =	simm.s32 $execute0_lowered;
	[smem:$0x3FD2] =	sst s25  }
0xa6: {  	s5 =	sshll.u32 s26, $0x1;
	_ =	strace $0x80000046;
	[dreg:$0x1] =	wrdreg $0xFFFFFFFF  }
0xa7: {  	s28 =	simm.s32 $_size_execute0_lowered;
	s3 =	sadd.s32 s3, s5;
	[dreg:$0x0] =	wrdreg $0x0  }
0xa8: {  	s5 =	sshll.u32 s28, $0x1;
	[dreg:$0x2] =	wrdreg s3  }
0xa9: {  	[dreg:$0x3] =	wrdreg s5  }
0xaa: {  	[dreg:$0x4] =	wrdreg $0xC0  }
0xab: {  	_ =	task [dreg:s7], $0x5FFFF  }
0xac: {  	[dreg:$0x1] =	wrdreg $0xFFFFFFFF  }
0xad: {  	[dreg:$0x0] =	wrdreg $0x60  }
0xae: {  	[dreg:$0x2] =	wrdreg s2  }
0xaf: {  	[dreg:$0x3] =	wrdreg s24  }
0xb0: {  	[dreg:$0x4] =	wrdreg $0x9  }
0xb1: {  	_ =	task.clear_ibuf [dreg:s7], $0x5FFFF;
	_ =	strace $0x90000046  }
0xb2: {  	s29 =	simm.s32 $0x9;
	_ =	strace $0x80000048  }
0xb3: {  	_ =	swait.ge [sflag:s29], $0x1  }
0xb4: {  	[sflag:s29] =	ssyncadd.s32 $0xFFFFFFFF  }
0xb5: {  	_ =	strace $0x90000048  }
0xb6: {  	_ =	sfence  }
0xb7: {  	s30 =	sld [smem:$0x0];
	_ =	sdelay $0x2  }
0xb8: {  	s31 =	sshll.u32 s1, $0xD;
	s1 =	sshrl.u32 s1, $0x2  }
0xb9: {  	s3 =	sand.u32 $0x4000, s31;
	s1 =	sadd.s32 s1, s30  }
0xba: {  	s0 =	sor.u32 s3, s0;
	s1 =	sshll.u32 s1, $0x11  }
0xbb: {  	s0 =	sor.u32 s1, s0  }
0xbc: {  	s0 =	sadd.s32 $0x8F2B, s0  }
0xbd: {  	[sflag:s0] =	ssyncadd.remote.s32 $0x1  }
0xbe: {  	_ =	sfence.sel $0xFFFF  }
0xbf: {  	[dreg:$0x0] =	wrdreg $0xFFFFFFFF;
	(pc) =	sbr.abs _section_cstart, $3  }
0xc0: {  	[dreg:$0x1] =	wrdreg $0xFFFFFFFF  }
0xc1: {  	_ =	task.clear_ibuf [dreg:s7], $0x2FFFF;
	_ =	strace $0x9FFFFFFF  }
0xc2: {  	(tm) =	ssettm $0x7FFFFFFF  }
0xc3: {  	_ =	shalt  }
tec
execute0_lowered:
.L_overlay_start_1:
0x0: {  	(tag) =	ssettag $0x1  }
0x1: {  	s3 =	rddreg [dreg:$0x0]  }
0x2: {  	s1 =	srdreg.scid;
	s0 =	stileid.u32  }
0x3: {  	s9 =	rddreg [dreg:$0x1];
	s8 =	sand.u32 $0x1, s1;
	s4 =	sshll.u32 s0, $0x1  }
0x4: {  	s2 =	simm.s32 $0x0;
	s1 =	rddreg [dreg:$0x2];
	s5 =	sor.u32 s8, s4  }
0x5: {  	[smem:$0x7FF] =	sst s2;
	s10 =	sshll.u32 s5, $0x9  }
0x6: {  	_ =	strace $0x80000047;
	s4 =	sadd.s32 s3, s10;
	s3 =	simm.s32 $0x1  }
0x7: {  	[tilespmem:s2], [sflag:$0x1] =	stream.linear.gather [hbm4b:s4+s2], $0x1000, $0x38;
	[tilespmem:$0x1880] =	vst v63  }
0x8: {  	s5 =	sshll.u32 s5, $0x4;
	_ =	swait.ge [sflag:s3], $0x1000  }
0x9: {  	s6 =	simm.s32 $0x1000;
	s5 =	sadd.s32 s5, s9;
	[sflag:s3] =	ssyncset.done $0x0  }
0xa: {  	s11 =	ssub.s32 $0x2, s8;
	s5 =	sadd.s32 $0xA00, s5;
	[sflag:s3] =	ssyncadd.s32 $0xFFFFF000  }
0xb: {  	[tilespmem:s6], [sflag:$0x1] =	stream.linear.gather [hbm4b:s5+s2], $0x80, $0x38;
	[tilespmem:$0x1880] =	vst v63  }
0xc: {  	s7 =	sadd.s32 $0x800, s9;
	s12 =	sshrl.u32 s11, $0x1;
	_ =	swait.ge [sflag:s3], $0x80  }
0xd: {  	s8 =	simm.s32 $0x1080;
	s31 =	ssub.s32 s11, s12;
	[sflag:s3] =	ssyncset.done $0x0  }
0xe: {  	s9 =	sadd.s32 s10, s9;
	s10 =	smax.u32 s31, $0x1;
	[sflag:s3] =	ssyncadd.s32 $0xFFFFFF80  }
0xf: {  	[tilespmem:s8], [sflag:$0x1] =	stream.linear.gather [hbm4b:s7+s2], $0x800, $0x38;
	[tilespmem:$0x1880] =	vst v63  }
0x10: {  	p0 =	sne.s32 s10, $0x1;
	_ =	swait.ge [sflag:s3], $0x800  }
.Ltmp0:
0x11: {  	[sflag:s3] =	ssyncset.done $0x0;
	(pc) =	sbr.rel @!p0 .LBB2_2-.Ltmp0, $4  }
0x12: {  	s9 =	sadd.s32 $0xC00, s9;
	[sflag:s3] =	ssyncadd.s32 $0xFFFFF800  }
0x13: {  	[hbm4b:s9+s2] =	stream.linear.scatter [tilespmem:s2], [sflag:$0x1], $0x1000, $0x38;
	[tilespmem:$0x1880] =	vst v63  }
0x14: {  	_ =	swait.ge [sflag:s3], $0x1000  }
0x15: {  	s10 =	sadd.s32 $0xFFFFFFFF, s10;
	[sflag:s3] =	ssyncset.done $0x0  }
.LBB2_1:
0x16: {  	p0 =	sne.s32 s10, $0x1;
	s10 =	sadd.s32 $0xFFFFFFFF, s10;
	[sflag:s3] =	ssyncadd.s32 $0xFFFFF000  }
0x17: {  	[tilespmem:s2], [sflag:$0x1] =	stream.linear.gather [hbm4b:s4+s2], $0x1000, $0x38;
	[tilespmem:$0x1880] =	vst v63  }
0x18: {  	_ =	swait.ge [sflag:s3], $0x1000  }
0x19: {  	[sflag:s3] =	ssyncset.done $0x0  }
0x1a: {  	[sflag:s3] =	ssyncadd.s32 $0xFFFFF000  }
0x1b: {  	[tilespmem:s6], [sflag:$0x1] =	stream.linear.gather [hbm4b:s5+s2], $0x80, $0x38;
	[tilespmem:$0x1880] =	vst v63  }
0x1c: {  	_ =	swait.ge [sflag:s3], $0x80  }
0x1d: {  	[sflag:s3] =	ssyncset.done $0x0  }
0x1e: {  	[sflag:s3] =	ssyncadd.s32 $0xFFFFFF80  }
0x1f: {  	[tilespmem:s8], [sflag:$0x1] =	stream.linear.gather [hbm4b:s7+s2], $0x800, $0x38;
	[tilespmem:$0x1880] =	vst v63  }
0x20: {  	_ =	swait.ge [sflag:s3], $0x800  }
.Ltmp1:
0x21: {  	[sflag:s3] =	ssyncset.done $0x0;
	(pc) =	sbr.rel @p0 .LBB2_1-.Ltmp1, $4  }
0x22: {  	[sflag:s3] =	ssyncadd.s32 $0xFFFFF800  }
0x23: {  	[hbm4b:s9+s2] =	stream.linear.scatter [tilespmem:s2], [sflag:$0x1], $0x1000, $0x38;
	[tilespmem:$0x1880] =	vst v63  }
0x24: {  	_ =	swait.ge [sflag:s3], $0x1000  }
0x25: {  	[sflag:s3] =	ssyncset.done $0x0  }
.LBB2_2:
0x26: {  	[sflag:s3] =	ssyncadd.s32 $0xFFFFF000  }
0x27: {  	_ =	sfence.sel $0x180000  }
0x28: {  	[bflag:$0x0] =	sbarrier.arrive $0xFFFF  }
0x29: {  	p0 =	sne.s32 s0, $0x0;
	_ =	strace $0x90000047  }
0x2a: {  	s0 =	sadd.s32 @!p0 $0x100000, s1;
	[bflag:$0x2] =	sbarrier.arrive $0xFFFF  }
0x2b: {  	[sflag:s0] =	ssyncadd.tile.s32 @!p0 $0x1;
	_ =	shalt  }
.Lfunc_end2:
_tile_overlayer_lowered:
.L_overlay_start_2:
0x2c: {  	(tag) =	ssettag $0x2  }
0x2d: {  	s0 =	rddreg [dreg:$0x0];
	s2 =	stileid.u32  }
0x2e: {  	s1 =	rddreg [dreg:$0x1];
	p0 =	sne.s32 s2, $0x0  }
0x2f: {  	s3 =	rddreg [dreg:$0x2];
	[bflag:$0x3] =	sbarrier.arrive $0xFFFF;
	s2 =	simm.s32 @!p0 $0x1C01  }
0x30: {  	[timem:s3], [sflag:s2] =	dma.local @!p0 [hbm:s0], s1  }
0x31: {  	s0 =	simm.s32 @!p0 $0x1  }
0x32: {  	_ =	swait.ge @!p0 [sflag:s0], s1  }
0x33: {  	s1 =	ssub.s32 @!p0 $0x0, s1;
	[sflag:s0] =	ssyncset.done @!p0 $0x0  }
0x34: {  	[sflag:s0] =	ssyncadd.s32 @!p0 s1  }
0x35: {  	[bflag:$0x3] =	sbarrier.arrive $0xFFFF  }
0x36: {  	_ =	shalt  }

</sc_bundles>
